<compile_context>
chip_gen: v7x
topology: tpu7x:2x2x1
jax: 0.10.2.dev20260603
libtpu: 0.0.44.dev20260713+nightly
codegen_flags: <defaults>
</compile_context>

<pallas_src>
import functools

import jax
import jax.numpy as jnp
from jax import lax
from jax.experimental import pallas as pl
from jax.experimental.pallas import tpu as pltpu
from jax.experimental.pallas import tpu_sc as plsc

_N_NODES = 10000
_N_EDGES = 320000
_D = 128
_NSEG = 10000
_NC = 2
_NS = 16
_NW = _NC * _NS
_K = 128
_G = _N_EDGES // _K
_NITER = -(-_G // _NW)
_HALF = (_NITER + 1) // 2
_RPT = 624


def _sc_body(x_hbm, tn_hbm, ti_hbm, z0_hbm, out_hbm,
             idxn0, idxn1, idxs0, idxs1, rows0, rows1, zsh,
             sin0, sin1, sis0, sis1, sg0, sg1, ss0, ss1):
    c = lax.axis_index("c")
    s = lax.axis_index("s")
    wid = s * _NC + c
    idxn = (idxn0, idxn1)
    idxs = (idxs0, idxs1)
    rows = (rows0, rows1)
    sin = (sin0, sin1)
    sis = (sis0, sis1)
    sg = (sg0, sg1)
    ss = (ss0, ss1)

    r0 = s * _RPT
    _RPT_LAST = _NSEG - (_NS - 1) * _RPT

    @pl.when(s < _NS - 1)
    def _zero_main():
        pltpu.sync_copy(z0_hbm.at[pl.ds(0, _RPT)], zsh.at[pl.ds(r0, _RPT)])

    @pl.when(s == _NS - 1)
    def _zero_last():
        pltpu.sync_copy(z0_hbm.at[pl.ds(0, _RPT_LAST)],
                        zsh.at[pl.ds(r0, _RPT_LAST)])

    plsc.subcore_barrier()

    def step(t, carry):
        for b in range(2):
            cc = 2 * t + b
            g = wid + _NW * cc

            @pl.when(g < _G)
            def _chunk(b=b, cc=cc, g=g):
                e0 = g * _K

                @pl.when(cc >= 2)
                def _drain_prev():
                    pltpu.make_async_copy(rows[b], zsh.at[idxs[b]], ss[b]).wait()

                cis = pltpu.async_copy(ti_hbm.at[pl.ds(e0, _K)], idxs[b], sis[b])

                @pl.when(cc < 2)
                def _first_idxn():
                    pltpu.async_copy(tn_hbm.at[pl.ds(e0, _K)], idxn[b], sin[b])

                pltpu.make_async_copy(tn_hbm.at[pl.ds(e0, _K)], idxn[b],
                                      sin[b]).wait()
                pltpu.async_copy(x_hbm.at[idxn[b]], rows[b], sg[b]).wait()
                cis.wait()
                pltpu.async_copy(rows[b], zsh.at[idxs[b]], ss[b], add=True)

                g2 = g + 2 * _NW

                @pl.when(g2 < _G)
                def _prefetch_idxn():
                    pltpu.async_copy(tn_hbm.at[pl.ds(g2 * _K, _K)], idxn[b],
                                     sin[b])

        return carry

    lax.fori_loop(0, _HALF, step, 0)

    for b in range(2):
        pltpu.make_async_copy(rows[b], zsh.at[idxs[b]], ss[b]).wait()
    plsc.subcore_barrier()

    @pl.when(s < _NS - 1)
    def _out_main():
        pltpu.sync_copy(zsh.at[pl.ds(r0, _RPT)],
                        out_hbm.at[pl.ds(c * _NSEG + r0, _RPT)])

    @pl.when(s == _NS - 1)
    def _out_last():
        pltpu.sync_copy(zsh.at[pl.ds(r0, _RPT_LAST)],
                        out_hbm.at[pl.ds(c * _NSEG + r0, _RPT_LAST)])


_sc_segment_sum = functools.partial(
    pl.kernel,
    out_type=jax.ShapeDtypeStruct((_NC * _NSEG, _D), jnp.float32),
    mesh=plsc.VectorSubcoreMesh(core_axis_name="c", subcore_axis_name="s",
                                num_cores=_NC, num_subcores=_NS),
    scratch_types=[
        pltpu.VMEM((_K,), jnp.int32),
        pltpu.VMEM((_K,), jnp.int32),
        pltpu.VMEM((_K,), jnp.int32),
        pltpu.VMEM((_K,), jnp.int32),
        pltpu.VMEM((_K, _D), jnp.float32),
        pltpu.VMEM((_K, _D), jnp.float32),
        pltpu.VMEM_SHARED((_NSEG, _D), jnp.float32),
        pltpu.SemaphoreType.DMA,
        pltpu.SemaphoreType.DMA,
        pltpu.SemaphoreType.DMA,
        pltpu.SemaphoreType.DMA,
        pltpu.SemaphoreType.DMA,
        pltpu.SemaphoreType.DMA,
        pltpu.SemaphoreType.DMA,
        pltpu.SemaphoreType.DMA,
    ],
)(_sc_body)


def _mlp_body(zp_ref, w1_ref, b1_ref, w2t_ref, b2_ref, o_ref):
    z = zp_ref[0:_NSEG, :] + zp_ref[_NSEG:2 * _NSEG, :]
    h = jnp.dot(z, w1_ref[...], preferred_element_type=jnp.float32)
    h = jnp.maximum(h + b1_ref[...], 0.0)
    logit = jnp.sum(h * w2t_ref[...], axis=1, keepdims=True) + b2_ref[...]
    o_ref[...] = jax.nn.sigmoid(logit)


_mlp = pl.pallas_call(
    _mlp_body,
    out_shape=jax.ShapeDtypeStruct((_NSEG, 1), jnp.float32),
)


def kernel(x, target_nodes, target_ids, W1, b1, W2, b2):
    tn = target_nodes.astype(jnp.int32)
    ti = target_ids.astype(jnp.int32)
    zeros = jnp.zeros((_NSEG - (_NS - 1) * _RPT, _D), jnp.float32)
    zparts = _sc_segment_sum(x, tn, ti, zeros)
    out = _mlp(zparts, W1, b1.reshape(1, _D), W2.reshape(1, _D),
               b2.reshape(1, 1))
    return out.reshape(_NSEG)

# --- scband reference (transcript-rebuilt; emitter-appended) ---
"""Pipeline reference for scband-mlp-henn-35862976921650 (READ-ONLY COPY).

The authoritative reference and input builder live on the scoring server;
editing this copy changes nothing except your own understanding.
"""

import jax, jax.numpy as jnp
import numpy as np

N_NODES = 10000
N_EDGES = 320000
IN_DIM = 128
HIDDEN_DIM = 128
NUM_SEGMENTS = 10000


def setup_inputs(seed: int = 0) -> dict:
    key = jax.random.key(seed)
    k_x, k_tn, k_ti, k_w1, k_b1, k_w2, k_b2 = jax.random.split(key, 7)
    x = jax.random.normal(k_x, (N_NODES, IN_DIM), dtype=jnp.float32)
    target_nodes = jax.random.randint(k_tn, (N_EDGES,), 0, N_NODES, dtype=jnp.int64 if jax.config.jax_enable_x64 else jnp.int32)
    target_ids = jnp.sort(jax.random.randint(k_ti, (N_EDGES,), 0, NUM_SEGMENTS, dtype=jnp.int64 if jax.config.jax_enable_x64 else jnp.int32))
    # Learned parameters (torch Linear default init approximated with uniform)
    bound1 = 1.0 / np.sqrt(IN_DIM)
    W1 = jax.random.uniform(k_w1, (IN_DIM, HIDDEN_DIM), dtype=jnp.float32, minval=-bound1, maxval=bound1)
    b1 = jax.random.uniform(k_b1, (HIDDEN_DIM,), dtype=jnp.float32, minval=-bound1, maxval=bound1)
    bound2 = 1.0 / np.sqrt(HIDDEN_DIM)
    W2 = jax.random.uniform(k_w2, (HIDDEN_DIM, 1), dtype=jnp.float32, minval=-bound2, maxval=bound2)
    b2 = jax.random.uniform(k_b2, (1,), dtype=jnp.float32, minval=-bound2, maxval=bound2)
    return {"x": x, "target_nodes": target_nodes, "target_ids": target_ids, "W1": W1, "b1": b1, "W2": W2, "b2": b2}


def reference(x, target_nodes, target_ids, W1, b1, W2, b2):
    # scatter(src=x[target_nodes], index=target_ids, reduce='sum')
    gathered = jnp.take(x, target_nodes, axis=0)
    Z = jax.ops.segment_sum(gathered, target_ids, num_segments=NUM_SEGMENTS)
    # classifier1 + relu (dropout is identity at eval)
    Z = Z @ W1 + b1
    Z = jax.nn.relu(Z)
    # classifier2 + sigmoid
    Z = Z @ W2 + b2
    return jax.nn.sigmoid(Z).squeeze(-1)

if __name__ == "__main__":
    import jax
    _d = setup_inputs()
    print(jax.jit(kernel)(*tuple(_d.values())))

</pallas_src>

<mosaic_0001>
#map = affine_map<(d0, d1) -> (0, 0)>
#map1 = affine_map<(d0, d1) -> (0)>
module attributes {stable_mosaic.version = 14 : i64} {
  func.func @_sc_body(%arg0: i32, %arg1: i32, %arg2: memref<10000x128xf32, #tpu.memory_space<hbm>>, %arg3: memref<320000xi32, #tpu.memory_space<hbm>>, %arg4: memref<320000xi32, #tpu.memory_space<hbm>>, %arg5: memref<640x128xf32, #tpu.memory_space<hbm>>, %arg6: memref<20000x128xf32, #tpu.memory_space<hbm>>, %arg7: memref<128xi32, #tpu.memory_space<vmem>>, %arg8: memref<128xi32, #tpu.memory_space<vmem>>, %arg9: memref<128xi32, #tpu.memory_space<vmem>>, %arg10: memref<128xi32, #tpu.memory_space<vmem>>, %arg11: memref<128x128xf32, #tpu.memory_space<vmem>>, %arg12: memref<128x128xf32, #tpu.memory_space<vmem>>, %arg13: memref<10000x128xf32, #tpu.memory_space<vmem_shared>>, %arg14: memref<!tpu.dma_semaphore, #tpu.memory_space<semaphore_mem>>, %arg15: memref<!tpu.dma_semaphore, #tpu.memory_space<semaphore_mem>>, %arg16: memref<!tpu.dma_semaphore, #tpu.memory_space<semaphore_mem>>, %arg17: memref<!tpu.dma_semaphore, #tpu.memory_space<semaphore_mem>>, %arg18: memref<!tpu.dma_semaphore, #tpu.memory_space<semaphore_mem>>, %arg19: memref<!tpu.dma_semaphore, #tpu.memory_space<semaphore_mem>>, %arg20: memref<!tpu.dma_semaphore, #tpu.memory_space<semaphore_mem>>, %arg21: memref<!tpu.dma_semaphore, #tpu.memory_space<semaphore_mem>>) attributes {dimension_semantics = [#tpu.dimension_semantics<core_parallel>, #tpu.dimension_semantics<subcore_parallel>], iteration_bounds = array<i64: 2, 16>, scalar_prefetch = 0 : i64, scratch_operands = 15 : i64, tpu.core_type = #tpu.core_type<sc_vector_subcore>, window_params = [{transform_indices = #map}, {transform_indices = #map1}, {transform_indices = #map1}, {transform_indices = #map}, {transform_indices = #map}]} {
    %mul3A = arith.constant 2 : i32
    %mul3A_0 = arith.muli %arg1, %mul3A : i32
    %add3A = arith.addi %mul3A_0, %arg0 : i32
    %mul3A_1 = arith.constant 624 : i32
    %mul3A_2 = arith.muli %arg1, %mul3A_1 : i32
    %lt3A = arith.constant 15 : i32
    %lt3A_3 = arith.cmpi slt, %arg1, %lt3A : i32
    %convert_element_type3A = arith.extui %lt3A_3 : i1 to i32
    %cond3A = arith.constant 0 : i32
    %cond3A_4 = arith.cmpi ne, %convert_element_type3A, %cond3A : i32
    scf.if %cond3A_4 {
      "tpu.region"() ({
        %run_scoped3A = tpu.sem_alloc : memref<!tpu.dma_semaphore, #tpu.memory_space<semaphore_mem>>
        %dma_start3A = arith.constant 0 : i32
        %dma_start3A_30 = tpu.memref_slice %arg13[%mul3A_2, %dma_start3A] : memref<10000x128xf32, #tpu.memory_space<vmem_shared>> -> memref<624x128xf32, #tpu.memory_space<vmem_shared>>
        %dma_start3A_31 = arith.constant 0 : i32
        %dma_start3A_32 = arith.constant 0 : i32
        %dma_start3A_33 = tpu.memref_slice %arg5[%dma_start3A_31, %dma_start3A_32] : memref<640x128xf32, #tpu.memory_space<hbm>> -> memref<624x128xf32, #tpu.memory_space<hbm>>
        tpu.enqueue_dma source(%dma_start3A_33 : memref<624x128xf32, #tpu.memory_space<hbm>>) target(%dma_start3A_30 : memref<624x128xf32, #tpu.memory_space<vmem_shared>>) target_semaphore(%run_scoped3A : memref<!tpu.dma_semaphore, #tpu.memory_space<semaphore_mem>>)
        %dma_wait3A_34 = arith.constant 0 : i32
        %dma_wait3A_35 = tpu.memref_slice %arg13[%mul3A_2, %dma_wait3A_34] : memref<10000x128xf32, #tpu.memory_space<vmem_shared>> -> memref<624x128xf32, #tpu.memory_space<vmem_shared>>
        %dma_wait3A_36 = arith.constant 0 : i32
        %dma_wait3A_37 = arith.constant 0 : i32
        %dma_wait3A_38 = tpu.memref_slice %arg5[%dma_wait3A_36, %dma_wait3A_37] : memref<640x128xf32, #tpu.memory_space<hbm>> -> memref<624x128xf32, #tpu.memory_space<hbm>>
        tpu.wait_dma2 semaphore(%run_scoped3A : memref<!tpu.dma_semaphore, #tpu.memory_space<semaphore_mem>>) src(%dma_wait3A_38 : memref<624x128xf32, #tpu.memory_space<hbm>>) dst(%dma_wait3A_35 : memref<624x128xf32, #tpu.memory_space<vmem_shared>>)
        tpu.yield
      }) : () -> ()
    } else {
    }
    %eq3A = arith.constant 15 : i32
    %eq3A_5 = arith.cmpi eq, %arg1, %eq3A : i32
    %convert_element_type3A_6 = arith.extui %eq3A_5 : i1 to i32
    %cond3A_7 = arith.constant 0 : i32
    %cond3A_8 = arith.cmpi ne, %convert_element_type3A_6, %cond3A_7 : i32
    scf.if %cond3A_8 {
      "tpu.region"() ({
        %run_scoped3A = tpu.sem_alloc : memref<!tpu.dma_semaphore, #tpu.memory_space<semaphore_mem>>
        %dma_start3A = arith.constant 0 : i32
        %dma_start3A_30 = tpu.memref_slice %arg13[%mul3A_2, %dma_start3A] : memref<10000x128xf32, #tpu.memory_space<vmem_shared>> -> memref<640x128xf32, #tpu.memory_space<vmem_shared>>
        %dma_start3A_31 = arith.constant 0 : i32
        %dma_start3A_32 = arith.constant 0 : i32
        %dma_start3A_33 = tpu.memref_slice %arg5[%dma_start3A_31, %dma_start3A_32] : memref<640x128xf32, #tpu.memory_space<hbm>> -> memref<640x128xf32, #tpu.memory_space<hbm>>
        tpu.enqueue_dma source(%dma_start3A_33 : memref<640x128xf32, #tpu.memory_space<hbm>>) target(%dma_start3A_30 : memref<640x128xf32, #tpu.memory_space<vmem_shared>>) target_semaphore(%run_scoped3A : memref<!tpu.dma_semaphore, #tpu.memory_space<semaphore_mem>>)
        %dma_wait3A_34 = arith.constant 0 : i32
        %dma_wait3A_35 = tpu.memref_slice %arg13[%mul3A_2, %dma_wait3A_34] : memref<10000x128xf32, #tpu.memory_space<vmem_shared>> -> memref<640x128xf32, #tpu.memory_space<vmem_shared>>
        %dma_wait3A_36 = arith.constant 0 : i32
        %dma_wait3A_37 = arith.constant 0 : i32
        %dma_wait3A_38 = tpu.memref_slice %arg5[%dma_wait3A_36, %dma_wait3A_37] : memref<640x128xf32, #tpu.memory_space<hbm>> -> memref<640x128xf32, #tpu.memory_space<hbm>>
        tpu.wait_dma2 semaphore(%run_scoped3A : memref<!tpu.dma_semaphore, #tpu.memory_space<semaphore_mem>>) src(%dma_wait3A_38 : memref<640x128xf32, #tpu.memory_space<hbm>>) dst(%dma_wait3A_35 : memref<640x128xf32, #tpu.memory_space<vmem_shared>>)
        tpu.yield
      }) : () -> ()
    } else {
    }
    %barrier3A = arith.constant 0 : index
    tpu.barrier barrier_id(%barrier3A)
    %scan3A = arith.constant 0 : i32
    %scan3A_9 = arith.constant 0 : i32
    %scan3A_10 = arith.constant 40 : i32
    %scan3A_11 = arith.addi %scan3A_9, %scan3A_10 : i32
    %scan3A_12 = arith.constant 1 : i32
    scf.for %scan3A_30 = %scan3A_9 to %scan3A_11 step %scan3A_12  : i32 {
      %mul3A_31 = arith.constant 2 : i32
      %mul3A_32 = arith.muli %mul3A_31, %scan3A_30 : i32
      %add3A_33 = arith.constant 0 : i32
      %add3A_34 = arith.addi %mul3A_32, %add3A_33 : i32
      %mul3A_35 = arith.constant 32 : i32
      %mul3A_36 = arith.muli %mul3A_35, %add3A_34 : i32
      %add3A_37 = arith.addi %add3A, %mul3A_36 : i32
      %lt3A_38 = arith.constant 2500 : i32
      %lt3A_39 = arith.cmpi slt, %add3A_37, %lt3A_38 : i32
      %convert_element_type3A_40 = arith.extui %lt3A_39 : i1 to i32
      %cond3A_41 = arith.constant 0 : i32
      %cond3A_42 = arith.cmpi ne, %convert_element_type3A_40, %cond3A_41 : i32
      scf.if %cond3A_42 {
        %mul3A_55 = arith.constant 128 : i32
        %mul3A_56 = arith.muli %add3A_37, %mul3A_55 : i32
        %ge3A = arith.constant 2 : i32
        %ge3A_57 = arith.cmpi sge, %add3A_34, %ge3A : i32
        %convert_element_type3A_58 = arith.extui %ge3A_57 : i1 to i32
        %cond3A_59 = arith.constant 0 : i32
        %cond3A_60 = arith.cmpi ne, %convert_element_type3A_58, %cond3A_59 : i32
        scf.if %cond3A_60 {
          %dma_wait3A_87 = arith.constant 0 : i32
          %dma_wait3A_88 = arith.constant 0 : i32
          %dma_wait3A_89 = tpu.memref_slice %arg13[%dma_wait3A_87, %dma_wait3A_88] : memref<10000x128xf32, #tpu.memory_space<vmem_shared>> -> memref<10000x128xf32, #tpu.memory_space<vmem_shared>>
          tpu.wait_indirect_dma semaphore(%arg20 : memref<!tpu.dma_semaphore, #tpu.memory_space<semaphore_mem>>) src(%arg11 : memref<128x128xf32, #tpu.memory_space<vmem>>) dst(%dma_wait3A_89 : memref<10000x128xf32, #tpu.memory_space<vmem_shared>>)
        } else {
        }
        %dma_start3A = tpu.memref_slice %arg4[%mul3A_56] : memref<320000xi32, #tpu.memory_space<hbm>> -> memref<128xi32, #tpu.memory_space<hbm>>
        %dma_start3A_61 = tpu.memref_slice %arg4[%mul3A_56] : memref<320000xi32, #tpu.memory_space<hbm>> -> memref<128xi32, #tpu.memory_space<hbm>>
        tpu.enqueue_dma source(%dma_start3A_61 : memref<128xi32, #tpu.memory_space<hbm>>) target(%arg9 : memref<128xi32, #tpu.memory_space<vmem>>) target_semaphore(%arg16 : memref<!tpu.dma_semaphore, #tpu.memory_space<semaphore_mem>>)
        %lt3A_62 = arith.constant 2 : i32
        %lt3A_63 = arith.cmpi slt, %add3A_34, %lt3A_62 : i32
        %convert_element_type3A_64 = arith.extui %lt3A_63 : i1 to i32
        %cond3A_65 = arith.constant 0 : i32
        %cond3A_66 = arith.cmpi ne, %convert_element_type3A_64, %cond3A_65 : i32
        scf.if %cond3A_66 {
          %dma_start3A_87 = tpu.memref_slice %arg3[%mul3A_56] : memref<320000xi32, #tpu.memory_space<hbm>> -> memref<128xi32, #tpu.memory_space<hbm>>
          %dma_start3A_88 = tpu.memref_slice %arg3[%mul3A_56] : memref<320000xi32, #tpu.memory_space<hbm>> -> memref<128xi32, #tpu.memory_space<hbm>>
          tpu.enqueue_dma source(%dma_start3A_88 : memref<128xi32, #tpu.memory_space<hbm>>) target(%arg7 : memref<128xi32, #tpu.memory_space<vmem>>) target_semaphore(%arg14 : memref<!tpu.dma_semaphore, #tpu.memory_space<semaphore_mem>>)
        } else {
        }
        %dma_wait3A_67 = tpu.memref_slice %arg3[%mul3A_56] : memref<320000xi32, #tpu.memory_space<hbm>> -> memref<128xi32, #tpu.memory_space<hbm>>
        %dma_wait3A_68 = tpu.memref_slice %arg3[%mul3A_56] : memref<320000xi32, #tpu.memory_space<hbm>> -> memref<128xi32, #tpu.memory_space<hbm>>
        tpu.wait_dma2 semaphore(%arg14 : memref<!tpu.dma_semaphore, #tpu.memory_space<semaphore_mem>>) src(%dma_wait3A_68 : memref<128xi32, #tpu.memory_space<hbm>>) dst(%arg7 : memref<128xi32, #tpu.memory_space<vmem>>)
        %dma_start3A_69 = arith.constant 0 : i32
        %dma_start3A_70 = arith.constant 0 : i32
        %dma_start3A_71 = tpu.memref_slice %arg2[%dma_start3A_69, %dma_start3A_70] : memref<10000x128xf32, #tpu.memory_space<hbm>> -> memref<10000x128xf32, #tpu.memory_space<hbm>>
        tpu.enqueue_indirect_dma source(%dma_start3A_71 : memref<10000x128xf32, #tpu.memory_space<hbm>>) target(%arg11 : memref<128x128xf32, #tpu.memory_space<vmem>>) offsets(%arg7 : memref<128xi32, #tpu.memory_space<vmem>>) semaphore(%arg18 : memref<!tpu.dma_semaphore, #tpu.memory_space<semaphore_mem>>)
        %dma_wait3A_72 = arith.constant 0 : i32
        %dma_wait3A_73 = arith.constant 0 : i32
        %dma_wait3A_74 = tpu.memref_slice %arg2[%dma_wait3A_72, %dma_wait3A_73] : memref<10000x128xf32, #tpu.memory_space<hbm>> -> memref<10000x128xf32, #tpu.memory_space<hbm>>
        tpu.wait_indirect_dma semaphore(%arg18 : memref<!tpu.dma_semaphore, #tpu.memory_space<semaphore_mem>>) src(%dma_wait3A_74 : memref<10000x128xf32, #tpu.memory_space<hbm>>) dst(%arg11 : memref<128x128xf32, #tpu.memory_space<vmem>>)
        %dma_wait3A_75 = tpu.memref_slice %arg4[%mul3A_56] : memref<320000xi32, #tpu.memory_space<hbm>> -> memref<128xi32, #tpu.memory_space<hbm>>
        %dma_wait3A_76 = tpu.memref_slice %arg4[%mul3A_56] : memref<320000xi32, #tpu.memory_space<hbm>> -> memref<128xi32, #tpu.memory_space<hbm>>
        tpu.wait_dma2 semaphore(%arg16 : memref<!tpu.dma_semaphore, #tpu.memory_space<semaphore_mem>>) src(%dma_wait3A_76 : memref<128xi32, #tpu.memory_space<hbm>>) dst(%arg9 : memref<128xi32, #tpu.memory_space<vmem>>)
        %dma_start3A_77 = arith.constant 0 : i32
        %dma_start3A_78 = arith.constant 0 : i32
        %dma_start3A_79 = tpu.memref_slice %arg13[%dma_start3A_77, %dma_start3A_78] : memref<10000x128xf32, #tpu.memory_space<vmem_shared>> -> memref<10000x128xf32, #tpu.memory_space<vmem_shared>>
        tpu.enqueue_indirect_dma source(%arg11 : memref<128x128xf32, #tpu.memory_space<vmem>>) target(%dma_start3A_79 : memref<10000x128xf32, #tpu.memory_space<vmem_shared>>) offsets(%arg9 : memref<128xi32, #tpu.memory_space<vmem>>) semaphore(%arg20 : memref<!tpu.dma_semaphore, #tpu.memory_space<semaphore_mem>>) {add = true}
        %add3A_80 = arith.constant 64 : i32
        %add3A_81 = arith.addi %add3A_37, %add3A_80 : i32
        %lt3A_82 = arith.constant 2500 : i32
        %lt3A_83 = arith.cmpi slt, %add3A_81, %lt3A_82 : i32
        %convert_element_type3A_84 = arith.extui %lt3A_83 : i1 to i32
        %cond3A_85 = arith.constant 0 : i32
        %cond3A_86 = arith.cmpi ne, %convert_element_type3A_84, %cond3A_85 : i32
        scf.if %cond3A_86 {
          %mul3A_87 = arith.constant 128 : i32
          %mul3A_88 = arith.muli %add3A_81, %mul3A_87 : i32
          %dma_start3A_89 = tpu.memref_slice %arg3[%mul3A_88] : memref<320000xi32, #tpu.memory_space<hbm>> -> memref<128xi32, #tpu.memory_space<hbm>>
          %dma_start3A_90 = tpu.memref_slice %arg3[%mul3A_88] : memref<320000xi32, #tpu.memory_space<hbm>> -> memref<128xi32, #tpu.memory_space<hbm>>
          tpu.enqueue_dma source(%dma_start3A_90 : memref<128xi32, #tpu.memory_space<hbm>>) target(%arg7 : memref<128xi32, #tpu.memory_space<vmem>>) target_semaphore(%arg14 : memref<!tpu.dma_semaphore, #tpu.memory_space<semaphore_mem>>)
        } else {
        }
      } else {
      }
      %mul3A_43 = arith.constant 2 : i32
      %mul3A_44 = arith.muli %mul3A_43, %scan3A_30 : i32
      %add3A_45 = arith.constant 1 : i32
      %add3A_46 = arith.addi %mul3A_44, %add3A_45 : i32
      %mul3A_47 = arith.constant 32 : i32
      %mul3A_48 = arith.muli %mul3A_47, %add3A_46 : i32
      %add3A_49 = arith.addi %add3A, %mul3A_48 : i32
      %lt3A_50 = arith.constant 2500 : i32
      %lt3A_51 = arith.cmpi slt, %add3A_49, %lt3A_50 : i32
      %convert_element_type3A_52 = arith.extui %lt3A_51 : i1 to i32
      %cond3A_53 = arith.constant 0 : i32
      %cond3A_54 = arith.cmpi ne, %convert_element_type3A_52, %cond3A_53 : i32
      scf.if %cond3A_54 {
        %mul3A_55 = arith.constant 128 : i32
        %mul3A_56 = arith.muli %add3A_49, %mul3A_55 : i32
        %ge3A = arith.constant 2 : i32
        %ge3A_57 = arith.cmpi sge, %add3A_46, %ge3A : i32
        %convert_element_type3A_58 = arith.extui %ge3A_57 : i1 to i32
        %cond3A_59 = arith.constant 0 : i32
        %cond3A_60 = arith.cmpi ne, %convert_element_type3A_58, %cond3A_59 : i32
        scf.if %cond3A_60 {
          %dma_wait3A_87 = arith.constant 0 : i32
          %dma_wait3A_88 = arith.constant 0 : i32
          %dma_wait3A_89 = tpu.memref_slice %arg13[%dma_wait3A_87, %dma_wait3A_88] : memref<10000x128xf32, #tpu.memory_space<vmem_shared>> -> memref<10000x128xf32, #tpu.memory_space<vmem_shared>>
          tpu.wait_indirect_dma semaphore(%arg21 : memref<!tpu.dma_semaphore, #tpu.memory_space<semaphore_mem>>) src(%arg12 : memref<128x128xf32, #tpu.memory_space<vmem>>) dst(%dma_wait3A_89 : memref<10000x128xf32, #tpu.memory_space<vmem_shared>>)
        } else {
        }
        %dma_start3A = tpu.memref_slice %arg4[%mul3A_56] : memref<320000xi32, #tpu.memory_space<hbm>> -> memref<128xi32, #tpu.memory_space<hbm>>
        %dma_start3A_61 = tpu.memref_slice %arg4[%mul3A_56] : memref<320000xi32, #tpu.memory_space<hbm>> -> memref<128xi32, #tpu.memory_space<hbm>>
        tpu.enqueue_dma source(%dma_start3A_61 : memref<128xi32, #tpu.memory_space<hbm>>) target(%arg10 : memref<128xi32, #tpu.memory_space<vmem>>) target_semaphore(%arg17 : memref<!tpu.dma_semaphore, #tpu.memory_space<semaphore_mem>>)
        %lt3A_62 = arith.constant 2 : i32
        %lt3A_63 = arith.cmpi slt, %add3A_46, %lt3A_62 : i32
        %convert_element_type3A_64 = arith.extui %lt3A_63 : i1 to i32
        %cond3A_65 = arith.constant 0 : i32
        %cond3A_66 = arith.cmpi ne, %convert_element_type3A_64, %cond3A_65 : i32
        scf.if %cond3A_66 {
          %dma_start3A_87 = tpu.memref_slice %arg3[%mul3A_56] : memref<320000xi32, #tpu.memory_space<hbm>> -> memref<128xi32, #tpu.memory_space<hbm>>
          %dma_start3A_88 = tpu.memref_slice %arg3[%mul3A_56] : memref<320000xi32, #tpu.memory_space<hbm>> -> memref<128xi32, #tpu.memory_space<hbm>>
          tpu.enqueue_dma source(%dma_start3A_88 : memref<128xi32, #tpu.memory_space<hbm>>) target(%arg8 : memref<128xi32, #tpu.memory_space<vmem>>) target_semaphore(%arg15 : memref<!tpu.dma_semaphore, #tpu.memory_space<semaphore_mem>>)
        } else {
        }
        %dma_wait3A_67 = tpu.memref_slice %arg3[%mul3A_56] : memref<320000xi32, #tpu.memory_space<hbm>> -> memref<128xi32, #tpu.memory_space<hbm>>
        %dma_wait3A_68 = tpu.memref_slice %arg3[%mul3A_56] : memref<320000xi32, #tpu.memory_space<hbm>> -> memref<128xi32, #tpu.memory_space<hbm>>
        tpu.wait_dma2 semaphore(%arg15 : memref<!tpu.dma_semaphore, #tpu.memory_space<semaphore_mem>>) src(%dma_wait3A_68 : memref<128xi32, #tpu.memory_space<hbm>>) dst(%arg8 : memref<128xi32, #tpu.memory_space<vmem>>)
        %dma_start3A_69 = arith.constant 0 : i32
        %dma_start3A_70 = arith.constant 0 : i32
        %dma_start3A_71 = tpu.memref_slice %arg2[%dma_start3A_69, %dma_start3A_70] : memref<10000x128xf32, #tpu.memory_space<hbm>> -> memref<10000x128xf32, #tpu.memory_space<hbm>>
        tpu.enqueue_indirect_dma source(%dma_start3A_71 : memref<10000x128xf32, #tpu.memory_space<hbm>>) target(%arg12 : memref<128x128xf32, #tpu.memory_space<vmem>>) offsets(%arg8 : memref<128xi32, #tpu.memory_space<vmem>>) semaphore(%arg19 : memref<!tpu.dma_semaphore, #tpu.memory_space<semaphore_mem>>)
        %dma_wait3A_72 = arith.constant 0 : i32
        %dma_wait3A_73 = arith.constant 0 : i32
        %dma_wait3A_74 = tpu.memref_slice %arg2[%dma_wait3A_72, %dma_wait3A_73] : memref<10000x128xf32, #tpu.memory_space<hbm>> -> memref<10000x128xf32, #tpu.memory_space<hbm>>
        tpu.wait_indirect_dma semaphore(%arg19 : memref<!tpu.dma_semaphore, #tpu.memory_space<semaphore_mem>>) src(%dma_wait3A_74 : memref<10000x128xf32, #tpu.memory_space<hbm>>) dst(%arg12 : memref<128x128xf32, #tpu.memory_space<vmem>>)
        %dma_wait3A_75 = tpu.memref_slice %arg4[%mul3A_56] : memref<320000xi32, #tpu.memory_space<hbm>> -> memref<128xi32, #tpu.memory_space<hbm>>
        %dma_wait3A_76 = tpu.memref_slice %arg4[%mul3A_56] : memref<320000xi32, #tpu.memory_space<hbm>> -> memref<128xi32, #tpu.memory_space<hbm>>
        tpu.wait_dma2 semaphore(%arg17 : memref<!tpu.dma_semaphore, #tpu.memory_space<semaphore_mem>>) src(%dma_wait3A_76 : memref<128xi32, #tpu.memory_space<hbm>>) dst(%arg10 : memref<128xi32, #tpu.memory_space<vmem>>)
        %dma_start3A_77 = arith.constant 0 : i32
        %dma_start3A_78 = arith.constant 0 : i32
        %dma_start3A_79 = tpu.memref_slice %arg13[%dma_start3A_77, %dma_start3A_78] : memref<10000x128xf32, #tpu.memory_space<vmem_shared>> -> memref<10000x128xf32, #tpu.memory_space<vmem_shared>>
        tpu.enqueue_indirect_dma source(%arg12 : memref<128x128xf32, #tpu.memory_space<vmem>>) target(%dma_start3A_79 : memref<10000x128xf32, #tpu.memory_space<vmem_shared>>) offsets(%arg10 : memref<128xi32, #tpu.memory_space<vmem>>) semaphore(%arg21 : memref<!tpu.dma_semaphore, #tpu.memory_space<semaphore_mem>>) {add = true}
        %add3A_80 = arith.constant 64 : i32
        %add3A_81 = arith.addi %add3A_49, %add3A_80 : i32
        %lt3A_82 = arith.constant 2500 : i32
        %lt3A_83 = arith.cmpi slt, %add3A_81, %lt3A_82 : i32
        %convert_element_type3A_84 = arith.extui %lt3A_83 : i1 to i32
        %cond3A_85 = arith.constant 0 : i32
        %cond3A_86 = arith.cmpi ne, %convert_element_type3A_84, %cond3A_85 : i32
        scf.if %cond3A_86 {
          %mul3A_87 = arith.constant 128 : i32
          %mul3A_88 = arith.muli %add3A_81, %mul3A_87 : i32
          %dma_start3A_89 = tpu.memref_slice %arg3[%mul3A_88] : memref<320000xi32, #tpu.memory_space<hbm>> -> memref<128xi32, #tpu.memory_space<hbm>>
          %dma_start3A_90 = tpu.memref_slice %arg3[%mul3A_88] : memref<320000xi32, #tpu.memory_space<hbm>> -> memref<128xi32, #tpu.memory_space<hbm>>
          tpu.enqueue_dma source(%dma_start3A_90 : memref<128xi32, #tpu.memory_space<hbm>>) target(%arg8 : memref<128xi32, #tpu.memory_space<vmem>>) target_semaphore(%arg15 : memref<!tpu.dma_semaphore, #tpu.memory_space<semaphore_mem>>)
        } else {
        }
      } else {
      }
    }
    %scan3A_13 = arith.constant 40 : i32
    %dma_wait3A = arith.constant 0 : i32
    %dma_wait3A_14 = arith.constant 0 : i32
    %dma_wait3A_15 = tpu.memref_slice %arg13[%dma_wait3A, %dma_wait3A_14] : memref<10000x128xf32, #tpu.memory_space<vmem_shared>> -> memref<10000x128xf32, #tpu.memory_space<vmem_shared>>
    tpu.wait_indirect_dma semaphore(%arg20 : memref<!tpu.dma_semaphore, #tpu.memory_space<semaphore_mem>>) src(%arg11 : memref<128x128xf32, #tpu.memory_space<vmem>>) dst(%dma_wait3A_15 : memref<10000x128xf32, #tpu.memory_space<vmem_shared>>)
    %dma_wait3A_16 = arith.constant 0 : i32
    %dma_wait3A_17 = arith.constant 0 : i32
    %dma_wait3A_18 = tpu.memref_slice %arg13[%dma_wait3A_16, %dma_wait3A_17] : memref<10000x128xf32, #tpu.memory_space<vmem_shared>> -> memref<10000x128xf32, #tpu.memory_space<vmem_shared>>
    tpu.wait_indirect_dma semaphore(%arg21 : memref<!tpu.dma_semaphore, #tpu.memory_space<semaphore_mem>>) src(%arg12 : memref<128x128xf32, #tpu.memory_space<vmem>>) dst(%dma_wait3A_18 : memref<10000x128xf32, #tpu.memory_space<vmem_shared>>)
    %barrier3A_19 = arith.constant 0 : index
    tpu.barrier barrier_id(%barrier3A_19)
    %lt3A_20 = arith.constant 15 : i32
    %lt3A_21 = arith.cmpi slt, %arg1, %lt3A_20 : i32
    %convert_element_type3A_22 = arith.extui %lt3A_21 : i1 to i32
    %cond3A_23 = arith.constant 0 : i32
    %cond3A_24 = arith.cmpi ne, %convert_element_type3A_22, %cond3A_23 : i32
    scf.if %cond3A_24 {
      %mul3A_30 = arith.constant 10000 : i32
      %mul3A_31 = arith.muli %arg0, %mul3A_30 : i32
      %add3A_32 = arith.addi %mul3A_31, %mul3A_2 : i32
      "tpu.region"() ({
        %run_scoped3A = tpu.sem_alloc : memref<!tpu.dma_semaphore, #tpu.memory_space<semaphore_mem>>
        %dma_start3A = arith.constant 0 : i32
        %dma_start3A_33 = tpu.memref_slice %arg6[%add3A_32, %dma_start3A] : memref<20000x128xf32, #tpu.memory_space<hbm>> -> memref<624x128xf32, #tpu.memory_space<hbm>>
        %dma_start3A_34 = arith.constant 0 : i32
        %dma_start3A_35 = tpu.memref_slice %arg13[%mul3A_2, %dma_start3A_34] : memref<10000x128xf32, #tpu.memory_space<vmem_shared>> -> memref<624x128xf32, #tpu.memory_space<vmem_shared>>
        tpu.enqueue_dma source(%dma_start3A_35 : memref<624x128xf32, #tpu.memory_space<vmem_shared>>) target(%dma_start3A_33 : memref<624x128xf32, #tpu.memory_space<hbm>>) target_semaphore(%run_scoped3A : memref<!tpu.dma_semaphore, #tpu.memory_space<semaphore_mem>>)
        %dma_wait3A_36 = arith.constant 0 : i32
        %dma_wait3A_37 = tpu.memref_slice %arg6[%add3A_32, %dma_wait3A_36] : memref<20000x128xf32, #tpu.memory_space<hbm>> -> memref<624x128xf32, #tpu.memory_space<hbm>>
        %dma_wait3A_38 = arith.constant 0 : i32
        %dma_wait3A_39 = tpu.memref_slice %arg13[%mul3A_2, %dma_wait3A_38] : memref<10000x128xf32, #tpu.memory_space<vmem_shared>> -> memref<624x128xf32, #tpu.memory_space<vmem_shared>>
        tpu.wait_dma2 semaphore(%run_scoped3A : memref<!tpu.dma_semaphore, #tpu.memory_space<semaphore_mem>>) src(%dma_wait3A_39 : memref<624x128xf32, #tpu.memory_space<vmem_shared>>) dst(%dma_wait3A_37 : memref<624x128xf32, #tpu.memory_space<hbm>>)
        tpu.yield
      }) : () -> ()
    } else {
    }
    %eq3A_25 = arith.constant 15 : i32
    %eq3A_26 = arith.cmpi eq, %arg1, %eq3A_25 : i32
    %convert_element_type3A_27 = arith.extui %eq3A_26 : i1 to i32
    %cond3A_28 = arith.constant 0 : i32
    %cond3A_29 = arith.cmpi ne, %convert_element_type3A_27, %cond3A_28 : i32
    scf.if %cond3A_29 {
      %mul3A_30 = arith.constant 10000 : i32
      %mul3A_31 = arith.muli %arg0, %mul3A_30 : i32
      %add3A_32 = arith.addi %mul3A_31, %mul3A_2 : i32
      "tpu.region"() ({
        %run_scoped3A = tpu.sem_alloc : memref<!tpu.dma_semaphore, #tpu.memory_space<semaphore_mem>>
        %dma_start3A = arith.constant 0 : i32
        %dma_start3A_33 = tpu.memref_slice %arg6[%add3A_32, %dma_start3A] : memref<20000x128xf32, #tpu.memory_space<hbm>> -> memref<640x128xf32, #tpu.memory_space<hbm>>
        %dma_start3A_34 = arith.constant 0 : i32
        %dma_start3A_35 = tpu.memref_slice %arg13[%mul3A_2, %dma_start3A_34] : memref<10000x128xf32, #tpu.memory_space<vmem_shared>> -> memref<640x128xf32, #tpu.memory_space<vmem_shared>>
        tpu.enqueue_dma source(%dma_start3A_35 : memref<640x128xf32, #tpu.memory_space<vmem_shared>>) target(%dma_start3A_33 : memref<640x128xf32, #tpu.memory_space<hbm>>) target_semaphore(%run_scoped3A : memref<!tpu.dma_semaphore, #tpu.memory_space<semaphore_mem>>)
        %dma_wait3A_36 = arith.constant 0 : i32
        %dma_wait3A_37 = tpu.memref_slice %arg6[%add3A_32, %dma_wait3A_36] : memref<20000x128xf32, #tpu.memory_space<hbm>> -> memref<640x128xf32, #tpu.memory_space<hbm>>
        %dma_wait3A_38 = arith.constant 0 : i32
        %dma_wait3A_39 = tpu.memref_slice %arg13[%mul3A_2, %dma_wait3A_38] : memref<10000x128xf32, #tpu.memory_space<vmem_shared>> -> memref<640x128xf32, #tpu.memory_space<vmem_shared>>
        tpu.wait_dma2 semaphore(%run_scoped3A : memref<!tpu.dma_semaphore, #tpu.memory_space<semaphore_mem>>) src(%dma_wait3A_39 : memref<640x128xf32, #tpu.memory_space<vmem_shared>>) dst(%dma_wait3A_37 : memref<640x128xf32, #tpu.memory_space<hbm>>)
        tpu.yield
      }) : () -> ()
    } else {
    }
    return
  }
}

module attributes {stable_mosaic.version = 14 : i64} {
  func.func @_mlp_body(%arg0: memref<20000x128xf32, #tpu.memory_space<vmem>>, %arg1: memref<128x128xf32, #tpu.memory_space<vmem>>, %arg2: memref<1x128xf32, #tpu.memory_space<vmem>>, %arg3: memref<1x128xf32, #tpu.memory_space<vmem>>, %arg4: memref<1x1xf32, #tpu.memory_space<vmem>>, %arg5: memref<10000x1xf32, #tpu.memory_space<vmem>>) attributes {dimension_semantics = [], scalar_prefetch = 0 : i64, scratch_operands = 0 : i64, tpu.core_type = #tpu.core_type<tc>} {
    %get3A = arith.constant 0 : index
    %get3A_0 = arith.constant 0 : index
    %get3A_1 = vector.load %arg0[%get3A, %get3A_0] : memref<20000x128xf32, #tpu.memory_space<vmem>>, vector<10000x128xf32>
    %get3A_2 = arith.constant 10000 : index
    %get3A_3 = arith.constant 0 : index
    %get3A_4 = vector.load %arg0[%get3A_2, %get3A_3] : memref<20000x128xf32, #tpu.memory_space<vmem>>, vector<10000x128xf32>
    %add3A = arith.addf %get3A_1, %get3A_4 : vector<10000x128xf32>
    %get3A_5 = arith.constant 0 : index
    %get3A_6 = arith.constant 0 : index
    %get3A_7 = vector.load %arg1[%get3A_5, %get3A_6] : memref<128x128xf32, #tpu.memory_space<vmem>>, vector<128x128xf32>
    %dot_general3A = arith.constant dense<0.000000e+00> : vector<10000x128xf32>
    %dot_general3A_8 = tpu.matmul %add3A, %get3A_7, %dot_general3A {dimension_numbers = #tpu.dot_dimension_numbers<[1], [0], [0], [1], [0, 0, 1, 1], [], []>, transpose_lhs_hint = false} : vector<10000x128xf32>, vector<128x128xf32>, vector<10000x128xf32> -> vector<10000x128xf32>
    %get3A_9 = arith.constant 0 : index
    %get3A_10 = arith.constant 0 : index
    %get3A_11 = vector.load %arg2[%get3A_9, %get3A_10] : memref<1x128xf32, #tpu.memory_space<vmem>>, vector<1x128xf32>
    %add3A_12 = vector.broadcast %get3A_11 : vector<1x128xf32> to vector<10000x128xf32>
    %add3A_13 = arith.addf %dot_general3A_8, %add3A_12 : vector<10000x128xf32>
    %max3A = arith.constant 0.000000e+00 : f32
    %max3A_14 = vector.broadcast %max3A : f32 to vector<10000x128xf32>
    %max3A_15 = arith.maximumf %add3A_13, %max3A_14 : vector<10000x128xf32>
    %get3A_16 = arith.constant 0 : index
    %get3A_17 = arith.constant 0 : index
    %get3A_18 = vector.load %arg3[%get3A_16, %get3A_17] : memref<1x128xf32, #tpu.memory_space<vmem>>, vector<1x128xf32>
    %mul3A = vector.broadcast %get3A_18 : vector<1x128xf32> to vector<10000x128xf32>
    %mul3A_19 = arith.mulf %max3A_15, %mul3A : vector<10000x128xf32>
    %reduce_sum3A = arith.constant dense<0.000000e+00> : vector<10000xf32>
    %reduce_sum3A_20 = vector.multi_reduction <add>, %mul3A_19, %reduce_sum3A [1] : vector<10000x128xf32> to vector<10000xf32>
    %broadcast_in_dim3A = vector.shape_cast %reduce_sum3A_20 : vector<10000xf32> to vector<10000x1xf32>
    %get3A_21 = arith.constant 0 : index
    %get3A_22 = arith.constant 0 : index
    %get3A_23 = vector.load %arg4[%get3A_21, %get3A_22] : memref<1x1xf32, #tpu.memory_space<vmem>>, vector<1x1xf32>
    %add3A_24 = vector.broadcast %get3A_23 : vector<1x1xf32> to vector<10000x1xf32>
    %add3A_25 = arith.addf %broadcast_in_dim3A, %add3A_24 : vector<10000x1xf32>
    %logistic3A = arith.negf %add3A_25 : vector<10000x1xf32>
    %logistic3A_26 = math.exp %logistic3A : vector<10000x1xf32>
    %logistic3A_27 = arith.constant 1.000000e+00 : f32
    %logistic3A_28 = vector.broadcast %logistic3A_27 : f32 to vector<10000x1xf32>
    %logistic3A_29 = arith.addf %logistic3A_28, %logistic3A_26 : vector<10000x1xf32>
    %logistic3A_30 = arith.divf %logistic3A_28, %logistic3A_29 : vector<10000x1xf32>
    %swap3A = arith.constant 0 : index
    %swap3A_31 = arith.constant 0 : index
    %swap3A_32 = vector.load %arg5[%swap3A, %swap3A_31] : memref<10000x1xf32, #tpu.memory_space<vmem>>, vector<10000x1xf32>
    tpu.vector_store %arg5[%swap3A, %swap3A_31], %logistic3A_30 {strides = array<i32>} : memref<10000x1xf32, #tpu.memory_space<vmem>>, vector<10000x1xf32>,
    return
  }
}

</mosaic_0001>

<sc_bundles>
// kernel: kernel.4.cloned.1.call-start
scs
__scs_entry_jumppad:
0x0: {  	(pc) =	sbr.rel $0x88, $3  }
0x1: {  	(tag) =	ssettag $0x0;
	lr =	simm.s32 $0x1  }
0x2: {  	[smem:$0x3F9A] =	sst lr;
	_ =	strace $0xD0000000  }
0x3: {  	_ = 	snop  }
0x4: {  	_ = 	snop  }
0x5: {  	_ = 	snop  }
0x6: {  	_ = 	snop  }
0x7: {  	_ = 	snop  }
__scs_overlays_trampoline_lowered:
0x8: {  	[smem:$0x3FA9] =	sst s0  }
0x9: {  	[smem:$0x3FAA] =	sst s1  }
0xa: {  	[smem:$0x3FAB] =	sst s2  }
0xb: {  	[smem:$0x3FAC] =	sst s3  }
0xc: {  	[smem:$0x3FAD] =	sst s4  }
0xd: {  	[smem:$0x3FAE] =	sst s5  }
0xe: {  	[smem:$0x3FAF] =	sst s6  }
0xf: {  	[smem:$0x3FB0] =	sst s7  }
0x10: {  	[smem:$0x3FB1] =	sst s8  }
0x11: {  	[smem:$0x3FB2] =	sst s9;
	s0 =	simm.s32 @!p0 $0x0  }
0x12: {  	s1 =	sld [smem:$0x3F98];
	s0 =	simm.s32 @p0 $0x1  }
0x13: {  	[smem:$0x3FB3] =	sst s0;
	s0 =	simm.s32 @!p1 $0x0  }
0x14: {  	s2 =	sld [smem:$0x3F97];
	s0 =	simm.s32 @p1 $0x1  }
0x15: {  	[smem:$0x3FB4] =	sst s0;
	s0 =	simm.s32 @!p2 $0x0  }
0x16: {  	s3 =	sld [smem:$0x3FDB];
	s0 =	simm.s32 @p2 $0x1  }
0x17: {  	s4 =	simm.s32 $0x1BF5;
	[smem:$0x3FB6] =	sst s0  }
0x18: {  	s0 =	sld [smem:$0x3F99];
	_ =	swait.ge [sflag:s4], $0x0  }
0x19: {  	s7 =	sld [smem:$0x3F9A]  }
0x1a: {  	s8 =	sadd.s32 $0xFFFFE003, lr  }
0x1b: {  	s9 =	sadd.s32 $0xFFFFFEF7, lr;
	s5 =	simm.s32 $0xFFFFFFFF;
	p2 =	slt.u32 s8, $0xFFFFF086  }
0x1c: {  	p1 =	slt.u32 s9, $0xF7A;
	s5 =	simm.s32 @!p2 $0x0  }
0x1d: {  	s5 =	simm.s32 @p1 $0x1;
	p0 =	seq.s32 s7, s2  }
0x1e: {  	s7 =	smul.u32 @!p0 $0xF7A, s2;
	p2 =	seq.s32 @!p0 s5, $0x0  }
0x1f: {  	s9 =	smul.u32 $0xF7A, s1;
	s8 =	simm.s32 @!p0 $0x1BF5;
	p2 =	por !p2, p0  }
0x20: {  	[sflag:s8] =	ssyncset.s32 @!p0 $0xFFFFF086;
	s6 =	sadd.s32 @!p0 s3, s7;
	s7 =	simm.s32 @!p0 $0x108  }
0x21: {  	s3 =	sadd.s32 s3, s9;
	s6 =	sadd.s32 @!p0 $0x88, s6;
	s7 =	simm.s32 @p2 $0x1082  }
0x22: {  	[simem:s7], [sflag:s8] =	dma.local @!p0 [hbm:s6], $0xF7A  }
0x23: {  	s9 =	sor.u32 $0xD0000000, s2;
	s6 =	simm.s32 $0x108;
	_ =	swait.ge @!p0 [sflag:s8], $0x0  }
0x24: {  	s3 =	sadd.s32 $0x88, s3;
	s6 =	simm.s32 @!p1 $0x1082;
	[sflag:s4] =	ssyncset.s32 $0xFFFFF086  }
0x25: {  	[simem:s6], [sflag:s4] =	dma.local [hbm:s3], $0xF7A  }
0x26: {  	[smem:$0x3F9A] =	sst s1;
	(tag) =	ssettag s2;
	_ =	strace s9  }
0x27: {  	s1 =	sld [smem:$0x3FAA]  }
0x28: {  	s2 =	sld [smem:$0x3FAB]  }
0x29: {  	s4 =	sld [smem:$0x3FAD]  }
0x2a: {  	p0 =	seq.s32 s5, $0x0;
	s5 =	sld [smem:$0x3FAE]  }
0x2b: {  	s6 =	sld [smem:$0x3FAF]  }
0x2c: {  	s7 =	sld [smem:$0x3FB0]  }
0x2d: {  	s3 =	simm.s32 $0x108;
	s8 =	sld [smem:$0x3FB1]  }
0x2e: {  	s3 =	simm.s32 @!p0 $0x1082;
	s9 =	sld [smem:$0x3FB2]  }
0x2f: {  	lr =	sadd.s32 s0, s3;
	s0 =	sld [smem:$0x3FA9]  }
0x30: {  	s3 =	sld [smem:$0x3FAC]  }
0x31: {  	[smem:$0x3FB5] =	sst s10  }
0x32: {  	s10 =	sld [smem:$0x3FB3];
	_ =	sdelay $0x3  }
0x33: {  	p0 =	seq.s32 s10, $0x1;
	s10 =	sld [smem:$0x3FB5];
	_ =	sdelay $0x3  }
0x34: {  	[smem:$0x3FB5] =	sst s10  }
0x35: {  	s10 =	sld [smem:$0x3FB4];
	_ =	sdelay $0x3  }
0x36: {  	p1 =	seq.s32 s10, $0x1;
	s10 =	sld [smem:$0x3FB5];
	_ =	sdelay $0x3  }
0x37: {  	[smem:$0x3FB5] =	sst s10  }
0x38: {  	s10 =	sld [smem:$0x3FB6]  }
0x39: {  	_ = 	snop;
	(pc) =	sbr.ind lr, $3  }
0x3a: {  	_ = 	snop  }
0x3b: {  	_ = 	snop  }
0x3c: {  	p2 =	seq.s32 s10, $0x1;
	s10 =	sld [smem:$0x3FB5]  }
0x3d: {  	_ =	shalt  }
0x3e: {  	_ =	shalt  }
0x3f: {  	_ =	shalt  }
0x40: {  	_ =	shalt  }
0x41: {  	_ =	shalt  }
0x42: {  	_ =	shalt  }
0x43: {  	_ =	shalt  }
0x44: {  	_ =	shalt  }
0x45: {  	_ =	shalt  }
0x46: {  	_ =	shalt  }
0x47: {  	_ =	shalt  }
0x48: {  	_ =	shalt  }
0x49: {  	_ =	shalt  }
0x4a: {  	_ =	shalt  }
0x4b: {  	_ =	shalt  }
0x4c: {  	_ =	shalt  }
0x4d: {  	_ =	shalt  }
0x4e: {  	_ =	shalt  }
0x4f: {  	_ =	shalt  }
0x50: {  	_ =	shalt  }
0x51: {  	_ =	shalt  }
0x52: {  	_ =	shalt  }
0x53: {  	_ =	shalt  }
0x54: {  	_ =	shalt  }
0x55: {  	_ =	shalt  }
0x56: {  	_ =	shalt  }
0x57: {  	_ =	shalt  }
0x58: {  	_ =	shalt  }
0x59: {  	_ =	shalt  }
0x5a: {  	_ =	shalt  }
0x5b: {  	_ =	shalt  }
0x5c: {  	_ =	shalt  }
0x5d: {  	_ =	shalt  }
0x5e: {  	_ =	shalt  }
0x5f: {  	_ =	shalt  }
0x60: {  	_ =	shalt  }
0x61: {  	_ =	shalt  }
0x62: {  	_ =	shalt  }
0x63: {  	_ =	shalt  }
0x64: {  	_ =	shalt  }
0x65: {  	_ =	shalt  }
0x66: {  	_ =	shalt  }
0x67: {  	_ =	shalt  }
0x68: {  	_ =	shalt  }
0x69: {  	_ =	shalt  }
0x6a: {  	_ =	shalt  }
0x6b: {  	_ =	shalt  }
0x6c: {  	_ =	shalt  }
0x6d: {  	_ =	shalt  }
0x6e: {  	_ =	shalt  }
0x6f: {  	_ =	shalt  }
0x70: {  	_ =	shalt  }
0x71: {  	_ =	shalt  }
0x72: {  	_ =	shalt  }
0x73: {  	_ =	shalt  }
0x74: {  	_ =	shalt  }
0x75: {  	_ =	shalt  }
0x76: {  	_ =	shalt  }
0x77: {  	_ =	shalt  }
0x78: {  	_ =	shalt  }
0x79: {  	_ =	shalt  }
0x7a: {  	_ =	shalt  }
0x7b: {  	_ =	shalt  }
0x7c: {  	_ =	shalt  }
0x7d: {  	_ =	shalt  }
0x7e: {  	_ =	shalt  }
0x7f: {  	_ =	shalt  }
0x80: {  	_ =	shalt  }
0x81: {  	_ =	shalt  }
0x82: {  	_ =	shalt  }
0x83: {  	_ =	shalt  }
0x84: {  	_ =	shalt  }
0x85: {  	_ =	shalt  }
0x86: {  	_ =	shalt  }
0x87: {  	_ =	shalt  }
.Lfunc_end0:
.L_simem_size_0:
called_computation_lowered:
.L_overlay_start_0:
0x88: {  	s2 =	sld [smem:$0x3FD9]  }
0x89: {  	s3 =	sld [smem:$0x3FFE];
	_ =	sdelay $0x1  }
0x8a: {  	s1 =	srdreg.scid  }
0x8b: {  	s0 =	sand.u32 $0x1, s1  }
0x8c: {  	s17 =	sshll.u32 s0, $0xA;
	s2 =	sadd.s32 s3, s2  }
0x8d: {  	s2 =	sadd.s32 s2, s17  }
0x8e: {  	[smem:$0x3FC1] =	sst s2  }
0x8f: {  	_ = 	snop  }
0x90: {  	s2 =	sld [smem:$0x3FC9]  }
0x91: {  	s18 =	sld [smem:$0x3FC8]  }
0x92: {  	s4 =	sld [smem:$0x3FC7];
	(tm) =	ssettm $0x1  }
0x93: {  	s5 =	sld [smem:$0x3FFB];
	_ =	sdelay $0x3  }
0x94: {  	_ =	strace s5  }
0x95: {  	s5 =	sld [smem:$0x3FFC];
	_ =	sdelay $0x3  }
0x96: {  	_ =	strace s5  }
0x97: {  	s5 =	sld [smem:$0x3FFD];
	_ =	sdelay $0x3  }
0x98: {  	_ =	strace s5  }
0x99: {  	_ =	strace $0x8FFFFFFF  }
0x9a: {  	s19 =	sld [smem:$0x3FDB];
	_ =	sdelay $0x1  }
0x9b: {  	s6 =	simm.s32 $_scs_section_size  }
0x9c: {  	s7 =	simm.s32 $_size__tile_overlayer_lowered;
	s8 =	simm.s32 $_tile_overlayer_lowered  }
0x9d: {  	s22 =	simm.s32 $0x1BFF;
	s21 =	sshll.u32 s8, $0x1;
	s5 =	sadd.s32 s6, s19  }
0x9e: {  	s9 =	simm.s32 $0x0;
	s20 =	sshll.u32 s7, $0x1;
	s7 =	sadd.s32 s21, s5  }
0x9f: {  	[timem:s9], [sflag:s22] =	dma.local [hbm:s7], s20  }
0xa0: {  	_ =	swait.ge [sflag:s22], s20  }
0xa1: {  	s6 =	ssub.s32 $0x0, s20;
	[sflag:s22] =	ssyncset.done $0x0  }
0xa2: {  	[sflag:s22] =	ssyncadd.s32 s6;
	_ =	sdelay $0x1  }
0xa3: {  	s23 =	simm.s32 $0x1B8B  }
0xa4: {  	_ =	swait.ge [sflag:s23], $0x1  }
0xa5: {  	[sflag:s23] =	ssyncset.done $0x0  }
0xa6: {  	s25 =	simm.s32 $0x1B8E;
	s24 =	sld [smem:$0x3FFE];
	[sflag:s23] =	ssyncadd.s32 $0xFFFFFFFF  }
0xa7: {  	s26 =	simm.s32 $execute0_lowered;
	[smem:$0x3FD2] =	sst s25  }
0xa8: {  	s7 =	sshll.u32 s26, $0x1;
	_ =	strace $0x80000046;
	[dreg:$0x1] =	wrdreg $0xFFFFFFFF  }
0xa9: {  	s28 =	simm.s32 $_size_execute0_lowered;
	s5 =	sadd.s32 s5, s7;
	[dreg:$0x0] =	wrdreg $0x0  }
0xaa: {  	s7 =	sshll.u32 s28, $0x1;
	[dreg:$0x2] =	wrdreg s5  }
0xab: {  	[dreg:$0x3] =	wrdreg s7  }
0xac: {  	[dreg:$0x4] =	wrdreg $0xC0  }
0xad: {  	_ =	task [dreg:s9], $0x5FFFF  }
0xae: {  	[dreg:$0x1] =	wrdreg $0xFFFFFFFF  }
0xaf: {  	[dreg:$0x0] =	wrdreg $0x60  }
0xb0: {  	[dreg:$0x2] =	wrdreg s2  }
0xb1: {  	[dreg:$0x3] =	wrdreg s18  }
0xb2: {  	[dreg:$0x4] =	wrdreg s4  }
0xb3: {  	[dreg:$0x5] =	wrdreg s24  }
0xb4: {  	[dreg:$0x6] =	wrdreg $0x82000  }
0xb5: {  	[dreg:$0x7] =	wrdreg $0x9  }
0xb6: {  	_ =	task.clear_ibuf [dreg:s9], $0x8FFFF;
	_ =	strace $0x90000046  }
0xb7: {  	s29 =	simm.s32 $0x9;
	_ =	strace $0x80000048  }
0xb8: {  	_ =	swait.ge [sflag:s29], $0x1  }
0xb9: {  	[sflag:s29] =	ssyncadd.s32 $0xFFFFFFFF  }
0xba: {  	_ =	strace $0x90000048  }
0xbb: {  	_ =	sfence  }
0xbc: {  	s30 =	sld [smem:$0x0];
	_ =	sdelay $0x2  }
0xbd: {  	s31 =	sshll.u32 s1, $0xD;
	s1 =	sshrl.u32 s1, $0x2  }
0xbe: {  	s3 =	sand.u32 $0x4000, s31;
	s1 =	sadd.s32 s1, s30  }
0xbf: {  	s0 =	sor.u32 s3, s0;
	s1 =	sshll.u32 s1, $0x11  }
0xc0: {  	s0 =	sor.u32 s1, s0  }
0xc1: {  	s0 =	sadd.s32 $0x8F2B, s0  }
0xc2: {  	[sflag:s0] =	ssyncadd.remote.s32 $0x1  }
0xc3: {  	_ =	sfence.sel $0xFFFF  }
0xc4: {  	[dreg:$0x0] =	wrdreg $0xFFFFFFFF;
	(pc) =	sbr.abs _section_cstart, $3  }
0xc5: {  	[dreg:$0x1] =	wrdreg $0xFFFFFFFF  }
0xc6: {  	_ =	task.clear_ibuf [dreg:s9], $0x2FFFF;
	_ =	strace $0x9FFFFFFF  }
0xc7: {  	(tm) =	ssettm $0x7FFFFFFF  }
tec
execute0_lowered:
.L_overlay_start_1:
0x0: {  	(tag) =	ssettag $0x1  }
0x1: {  	s1 =	rddreg [dreg:$0x0]  }
0x2: {  	s10 =	rddreg [dreg:$0x1]  }
0x3: {  	s11 =	rddreg [dreg:$0x2]  }
0x4: {  	s6 =	rddreg [dreg:$0x3]  }
0x5: {  	s2 =	rddreg [dreg:$0x4]  }
0x6: {  	s0 =	rddreg [dreg:$0x5];
	s4 =	simm.s32 $0x0;
	s5 =	srdreg.scid  }
0x7: {  	s3 =	stileid.u32;
	[smem:$0x7FF] =	sst s4  }
0x8: {  	s12 =	sand.u32 $0x1, s5;
	s7 =	smul.u32 $0x2700, s3;
	s5 =	sadd.s32 $0x800, s6  }
0x9: {  	s9 =	smul.u32 $0x4E000, s3;
	s13 =	sadd.s32 $0x3000, s6;
	s6 =	sshll.u32 s3, $0x1  }
0xa: {  	s30 =	sshll.u32 s3, $0x5;
	p0 =	seq.s32 s3, $0xF;
	s14 =	smul.u32 $0x138800, s12  }
0xb: {  	_ =	strace $0x80000047;
	s8 =	ssub.s32 $0x2, s12;
	s28 =	smul.u32 $0x27100, s12  }
0xc: {  	s10 =	sadd.s32 s30, s10;
	s31 =	sshll.u32 s12, $0x4;
	s11 =	sadd.s32 s30, s11  }
0xd: {  	s12 =	sor.u32 $0x20, s12;
	s25 =	sshrl.u32 s8, $0x1;
	s26 =	sshrl.u32 s9, $0x2  }
0xe: {  	s10 =	sadd.s32 s31, s10;
	s11 =	sadd.s32 s31, s11;
	[dreg:$0x6] =	wrdreg s12  }
0xf: {  	s15 =	ssub.s32 s8, s25;
	s16 =	sadd.s32 s26, s2;
	s29 =	sshrl.u32 s14, $0x3  }
0x10: {  	s14 =	sadd.s32 $0x124800, s2;
	s7 =	sadd.s32 s7, s28;
	s8 =	sadd.s32 s13, s29  }
0x11: {  	s7 =	sadd.s32 s13, s7;
	s9 =	smax.u32 s15, $0x1;
	s13 =	sshll.u32 @!p0 s3, $0x6  }
0x12: {  	s12 =	sshrl.u32 @p0 s14, $0x3;
	s14 =	sshrl.u32 @!p0 s16, $0x3;
	s15 =	simm.s32 $0x7  }
0x13: {  	s16 =	simm.s32 $0x8;
	s8 =	sadd.s32 $0x24900, s8;
	s13 =	sor.u32 @!p0 $0x1C09, s13  }
.LBB2_1:
0x14: {  	s17 =	simm.s32 @p0 $0x1FC9  }
0x15: {  	[spmem:s12], [sflag:s17] =	dma.local @p0 [hbm:s5], $0x2800  }
0x16: {  	s17 =	simm.s32 @p0 $0x9  }
0x17: {  	_ =	swait.ge @p0 [sflag:s17], $0x2800  }
0x18: {  	[sflag:s17] =	ssyncset.done @p0 $0x0  }
0x19: {  	[sflag:s17] =	ssyncadd.s32 @p0 $0xFFFFD800;
	s17 =	simm.s32 @!p0 $0x9  }
0x1a: {  	[spmem:s14], [sflag:s13] =	dma.local @!p0 [hbm:s5], $0x2700  }
0x1b: {  	p1 =	sgt.u32 s6, $0x9C3;
	_ =	swait.ge @!p0 [sflag:s17], $0x2700  }
0x1c: {  	p2 =	por @!p1 $0x1, $0x1;
	[sflag:s17] =	ssyncset.done @!p0 $0x0  }
0x1d: {  	p2 =	por p2, p1;
	[sflag:s17] =	ssyncadd.s32 @!p0 $0xFFFFD900  }
0x1e: {  	s17 =	simm.s32 @!p2 $0x7;
	[bflag:$0x0] =	sbarrier.arrive $0xFFFF  }
0x1f: {  	p3 =	por @!p1 $0x0, $0x0;
	_ =	swait.ge @!p2 [sflag:s17], $0x4000  }
0x20: {  	s18 =	simm.s32 @!p1 $0x100;
	s19 =	simm.s32 @!p1 $0x0;
	[sflag:s17] =	ssyncset.done @!p2 $0x0  }
0x21: {  	p3 =	por p3, p1;
	[sflag:s17] =	ssyncadd.s32 @!p2 $0xFFFFC000;
	s17 =	sadd.s32 @!p1 $0x0, s11  }
0x22: {  	[tilespmem:s18], [sflag:$0x3] =	stream.linear.gather @!p1 [hbm4b:s17+s19], $0x80, $0x38;
	[tilespmem:$0x1BA80] =	vst v63  }
0x23: {  	s21 =	simm.s32 @!p1 $0x1;
	s20 =	simm.s32 @!p3 $0x0;
	s17 =	sadd.s32 @!p3 $0x0, s10  }
0x24: {  	[tilespmem:s20], [sflag:$0x1] =	stream.linear.gather @!p3 [hbm4b:s17+s20], $0x80, $0x38;
	[tilespmem:$0x1BA80] =	vst v63  }
0x25: {  	_ =	swait.ge @!p1 [sflag:s21], $0x80  }
0x26: {  	s17 =	simm.s32 @!p1 $0x5;
	[sflag:s21] =	ssyncset.done @!p1 $0x0  }
0x27: {  	s20 =	simm.s32 @!p1 $0x80;
	[sflag:s21] =	ssyncadd.s32 @!p1 $0xFFFFFF80;
	s21 =	simm.s32 @!p1 $0x200  }
0x28: {  	[tilespmem:s21], [sflag:$0x5] =	stream.indirect.gather @!p1 [hbm4b:s1+s20], $0x80, s19, s20, $0xb8;
	[tilespmem:$0x1BA80] =	vst v63  }
0x29: {  	_ =	swait.ge @!p1 [sflag:s17], $0x4000  }
0x2a: {  	[sflag:s17] =	ssyncset.done @!p1 $0x0  }
0x2b: {  	[sflag:s17] =	ssyncadd.s32 @!p1 $0xFFFFC000;
	s17 =	simm.s32 @!p1 $0x3  }
0x2c: {  	_ =	swait.ge @!p1 [sflag:s17], $0x80  }
0x2d: {  	[sflag:s17] =	ssyncset.done @!p1 $0x0;
	s31 =	rddreg [dreg:$0x6]  }
0x2e: {  	p2 =	sgt.u32 @!p1 s6, $0x983;
	[sflag:s17] =	ssyncadd.s32 @!p1 $0xFFFFFF80;
	s17 =	sadd.s32 s6, s31  }
0x2f: {  	[spmem:s2] =	stream.indirect.scatter.add.f32 @!p1 [tilespmem:s21], [sflag:$0x7], $0x80, s18, s20, $0xb8;
	[tilespmem:$0x1BA80] =	vst v63  }
0x30: {  	p3 =	por p2, p1;
	p1 =	sgt.u32 s17, $0x9C3  }
0x31: {  	s18 =	sadd.s32 @!p3 $0x0, s10;
	p2 =	por @!p1 $0x1, $0x1  }
0x32: {  	s19 =	simm.s32 @!p3 $0x0;
	s18 =	sadd.s32 @!p3 $0x400, s18;
	p5 =	por p2, p1  }
0x33: {  	[tilespmem:s19], [sflag:$0x1] =	stream.linear.gather @!p3 [hbm4b:s18+s19], $0x80, $0x38;
	[tilespmem:$0x1BA80] =	vst v63  }
0x34: {  	p4 =	por @!p1 $0x0, $0x0;
	s21 =	simm.s32 @!p1 $0x180;
	s20 =	simm.s32 @!p5 $0x8  }
0x35: {  	s22 =	simm.s32 @!p1 $0x2;
	p2 =	por p4, p1;
	_ =	swait.ge @!p5 [sflag:s20], $0x4000  }
0x36: {  	s18 =	sadd.s32 @!p1 $0x0, s11;
	s19 =	sadd.s32 @!p2 $0x0, s10;
	[sflag:s20] =	ssyncset.done @!p5 $0x0  }
0x37: {  	s18 =	sadd.s32 @!p1 $0x200, s18;
	[sflag:s20] =	ssyncadd.s32 @!p5 $0xFFFFC000;
	s20 =	simm.s32 @!p1 $0x0  }
0x38: {  	[tilespmem:s21], [sflag:$0x4] =	stream.linear.gather @!p1 [hbm4b:s18+s20], $0x80, $0x38;
	[tilespmem:$0x1BA80] =	vst v63  }
0x39: {  	s19 =	sadd.s32 @!p2 $0x200, s19;
	s18 =	simm.s32 @!p2 $0x0;
	s20 =	simm.s32 @!p2 $0x80  }
0x3a: {  	[tilespmem:s20], [sflag:$0x2] =	stream.linear.gather @!p2 [hbm4b:s19+s18], $0x80, $0x38;
	[tilespmem:$0x1BA80] =	vst v63  }
0x3b: {  	_ =	swait.ge @!p1 [sflag:s22], $0x80  }
0x3c: {  	s23 =	simm.s32 @!p1 $0x80;
	s24 =	simm.s32 @!p1 $0x4200;
	[sflag:s22] =	ssyncset.done @!p1 $0x0  }
0x3d: {  	p2 =	sgt.u32 @!p1 s17, $0x983;
	s18 =	simm.s32 @!p1 $0x6;
	[sflag:s22] =	ssyncadd.s32 @!p1 $0xFFFFFF80  }
0x3e: {  	[tilespmem:s24], [sflag:$0x6] =	stream.indirect.gather @!p1 [hbm4b:s1+s23], $0x80, s23, s23, $0xb8;
	[tilespmem:$0x1BA80] =	vst v63  }
0x3f: {  	s17 =	simm.s32 $0x400;
	s19 =	simm.s32 $0x800;
	_ =	swait.ge @!p1 [sflag:s18], $0x4000  }
0x40: {  	s20 =	simm.s32 @!p1 $0x4;
	p4 =	por p2, p1;
	[sflag:s18] =	ssyncset.done @!p1 $0x0  }
0x41: {  	s22 =	sadd.s32 @!p4 $0x0, s10;
	[sflag:s18] =	ssyncadd.s32 @!p1 $0xFFFFC000;
	s18 =	sadd.s32 $0x40, s6  }
0x42: {  	s22 =	sadd.s32 @!p4 $0x600, s22;
	p2 =	sgt.u32 s18, $0x9C3;
	_ =	swait.ge @!p1 [sflag:s20], $0x80  }
0x43: {  	p6 =	por @!p2 $0x0, $0x0;
	p5 =	por @!p2 $0x1, $0x1;
	[sflag:s20] =	ssyncset.done @!p1 $0x0  }
.LBB2_2:
0x44: {  	p3 =	por p6, p2;
	[sflag:s20] =	ssyncadd.s32 @!p1 $0xFFFFFF80  }
0x45: {  	[spmem:s2] =	stream.indirect.scatter.add.f32 @!p1 [tilespmem:s24], [sflag:$0x8], $0x80, s21, s23, $0xb8;
	[tilespmem:$0x1BA80] =	vst v63  }
0x46: {  	s21 =	simm.s32 @!p3 $0x7;
	s23 =	simm.s32 @!p4 $0x0;
	s24 =	simm.s32 @!p4 $0x80  }
0x47: {  	[tilespmem:s24], [sflag:$0x2] =	stream.linear.gather @!p4 [hbm4b:s22+s23], $0x80, $0x38;
	[tilespmem:$0x1BA80] =	vst v63  }
0x48: {  	_ =	swait.ge @!p3 [sflag:s21], $0x4000  }
0x49: {  	p1 =	por p5, p2;
	s22 =	simm.s32 @!p2 $0x100;
	[sflag:s21] =	ssyncset.done @!p3 $0x0  }
0x4a: {  	s23 =	simm.s32 @!p2 $0x0;
	[sflag:s21] =	ssyncadd.s32 @!p3 $0xFFFFC000;
	s21 =	sadd.s32 @!p2 s17, s11  }
0x4b: {  	[tilespmem:s22], [sflag:$0x3] =	stream.linear.gather @!p2 [hbm4b:s21+s23], $0x80, $0x38;
	[tilespmem:$0x1BA80] =	vst v63  }
0x4c: {  	s25 =	simm.s32 @!p2 $0x1;
	s24 =	simm.s32 @!p1 $0x0;
	s21 =	sadd.s32 @!p1 s17, s10  }
0x4d: {  	[tilespmem:s24], [sflag:$0x1] =	stream.linear.gather @!p1 [hbm4b:s21+s24], $0x80, $0x38;
	[tilespmem:$0x1BA80] =	vst v63  }
0x4e: {  	_ =	swait.ge @!p2 [sflag:s25], $0x80  }
0x4f: {  	s26 =	simm.s32 @!p2 $0x200;
	[sflag:s25] =	ssyncset.done @!p2 $0x0  }
0x50: {  	s24 =	simm.s32 @!p2 $0x5;
	[sflag:s25] =	ssyncadd.s32 @!p2 $0xFFFFFF80;
	s25 =	simm.s32 @!p2 $0x80  }
0x51: {  	[tilespmem:s26], [sflag:$0x5] =	stream.indirect.gather @!p2 [hbm4b:s1+s25], $0x80, s23, s25, $0xb8;
	[tilespmem:$0x1BA80] =	vst v63  }
0x52: {  	_ =	swait.ge @!p2 [sflag:s24], $0x4000  }
0x53: {  	[sflag:s24] =	ssyncset.done @!p2 $0x0  }
0x54: {  	s23 =	simm.s32 @!p2 $0x3;
	[sflag:s24] =	ssyncadd.s32 @!p2 $0xFFFFC000  }
0x55: {  	_ =	swait.ge @!p2 [sflag:s23], $0x80  }
0x56: {  	[sflag:s23] =	ssyncset.done @!p2 $0x0  }
0x57: {  	p6 =	sgt.u32 @!p2 s18, $0x983;
	s31 =	rddreg [dreg:$0x6];
	[sflag:s23] =	ssyncadd.s32 @!p2 $0xFFFFFF80  }
0x58: {  	[spmem:s2] =	stream.indirect.scatter.add.f32 @!p2 [tilespmem:s26], [sflag:$0x7], $0x80, s22, s25, $0xb8;
	[tilespmem:$0x1BA80] =	vst v63  }
0x59: {  	s30 =	smov.u32 s19;
	p4 =	por p6, p2;
	s22 =	sadd.s32 s18, s31  }
0x5a: {  	s19 =	sadd.s32 $0x400, s19;
	s21 =	sadd.s32 @!p4 s17, s10;
	p1 =	sgt.u32 s22, $0x9C3  }
0x5b: {  	s21 =	sadd.s32 @!p4 $0x400, s21;
	s23 =	simm.s32 @!p4 $0x0;
	p2 =	seq.s32 @!p1 s17, $0x0  }
0x5c: {  	[tilespmem:s23], [sflag:$0x1] =	stream.linear.gather @!p4 [hbm4b:s21+s23], $0x80, $0x38;
	[tilespmem:$0x1BA80] =	vst v63  }
0x5d: {  	p6 =	sne.s32 @!p1 s17, $0x0;
	s24 =	sadd.s32 @!p1 s17, s11;
	p5 =	por p2, p1  }
0x5e: {  	s20 =	simm.s32 @!p1 $0x0;
	s21 =	simm.s32 @!p1 $0x180;
	s25 =	simm.s32 @!p5 $0x8  }
0x5f: {  	s24 =	sadd.s32 @!p1 $0x200, s24;
	p2 =	por p6, p1;
	_ =	swait.ge @!p5 [sflag:s25], $0x4000  }
0x60: {  	p6 =	sgt.u32 @!p1 s22, $0x983;
	s26 =	sadd.s32 @!p2 s17, s10;
	[sflag:s25] =	ssyncset.done @!p5 $0x0  }
0x61: {  	p4 =	por p6, p1;
	s22 =	sadd.s32 @!p2 $0x200, s26;
	[sflag:s25] =	ssyncadd.s32 @!p5 $0xFFFFC000  }
0x62: {  	[tilespmem:s21], [sflag:$0x4] =	stream.linear.gather @!p1 [hbm4b:s24+s20], $0x80, $0x38;
	[tilespmem:$0x1BA80] =	vst v63  }
0x63: {  	s25 =	simm.s32 @!p1 $0x2;
	s20 =	simm.s32 @!p2 $0x0;
	s24 =	simm.s32 @!p2 $0x80  }
0x64: {  	[tilespmem:s24], [sflag:$0x2] =	stream.linear.gather @!p2 [hbm4b:s22+s20], $0x80, $0x38;
	[tilespmem:$0x1BA80] =	vst v63  }
0x65: {  	p3 =	sne.s32 s19, $0xA000;
	s23 =	sadd.s32 @!p4 s17, s10;
	_ =	swait.ge @!p1 [sflag:s25], $0x80  }
0x66: {  	s22 =	sadd.s32 @!p4 $0x600, s23;
	s20 =	simm.s32 @!p1 $0x6;
	[sflag:s25] =	ssyncset.done @!p1 $0x0  }
0x67: {  	s23 =	simm.s32 @!p1 $0x80;
	s24 =	simm.s32 @!p1 $0x4200;
	[sflag:s25] =	ssyncadd.s32 @!p1 $0xFFFFFF80  }
0x68: {  	[tilespmem:s24], [sflag:$0x6] =	stream.indirect.gather @!p1 [hbm4b:s1+s23], $0x80, s23, s23, $0xb8;
	[tilespmem:$0x1BA80] =	vst v63  }
.Ltmp0:
0x69: {  	_ =	swait.ge @!p1 [sflag:s20], $0x4000;
	(pc) =	sbr.rel @p3 .LBB2_2-.Ltmp0, $4  }
0x6a: {  	[sflag:s20] =	ssyncset.done @!p1 $0x0  }
0x6b: {  	s18 =	sadd.s32 $0x40, s18;
	[sflag:s20] =	ssyncadd.s32 @!p1 $0xFFFFC000;
	s20 =	simm.s32 @!p1 $0x4  }
0x6c: {  	s17 =	smov.u32 s30;
	p2 =	sgt.u32 s18, $0x9C3;
	_ =	swait.ge @!p1 [sflag:s20], $0x80  }
0x6d: {  	p6 =	seq.s32 @!p2 s17, $0x0;
	p5 =	sne.s32 @!p2 s17, $0x0;
	[sflag:s20] =	ssyncset.done @!p1 $0x0  }
0x6e: {  	p3 =	por p6, p2;
	[sflag:s20] =	ssyncadd.s32 @!p1 $0xFFFFFF80  }
0x6f: {  	[spmem:s2] =	stream.indirect.scatter.add.f32 @!p1 [tilespmem:s24], [sflag:$0x8], $0x80, s21, s23, $0xb8;
	[tilespmem:$0x1BA80] =	vst v63  }
0x70: {  	s20 =	simm.s32 @!p4 $0x0;
	s19 =	simm.s32 @!p3 $0x7;
	s21 =	simm.s32 @!p4 $0x80  }
0x71: {  	[tilespmem:s21], [sflag:$0x2] =	stream.linear.gather @!p4 [hbm4b:s22+s20], $0x80, $0x38;
	[tilespmem:$0x1BA80] =	vst v63  }
0x72: {  	_ =	swait.ge @!p3 [sflag:s19], $0x4000  }
0x73: {  	p1 =	por p5, p2;
	s20 =	simm.s32 @!p2 $0x100;
	[sflag:s19] =	ssyncset.done @!p3 $0x0  }
0x74: {  	s21 =	simm.s32 @!p2 $0x0;
	[sflag:s19] =	ssyncadd.s32 @!p3 $0xFFFFC000;
	s19 =	sadd.s32 @!p2 s17, s11  }
0x75: {  	[tilespmem:s20], [sflag:$0x3] =	stream.linear.gather @!p2 [hbm4b:s19+s21], $0x80, $0x38;
	[tilespmem:$0x1BA80] =	vst v63  }
0x76: {  	s23 =	simm.s32 @!p2 $0x1;
	s22 =	simm.s32 @!p1 $0x0;
	s19 =	sadd.s32 @!p1 s17, s10  }
0x77: {  	[tilespmem:s22], [sflag:$0x1] =	stream.linear.gather @!p1 [hbm4b:s19+s22], $0x80, $0x38;
	[tilespmem:$0x1BA80] =	vst v63  }
0x78: {  	_ =	swait.ge @!p2 [sflag:s23], $0x80  }
0x79: {  	s19 =	simm.s32 @!p2 $0x5;
	[sflag:s23] =	ssyncset.done @!p2 $0x0  }
0x7a: {  	s22 =	simm.s32 @!p2 $0x80;
	[sflag:s23] =	ssyncadd.s32 @!p2 $0xFFFFFF80;
	s23 =	simm.s32 @!p2 $0x200  }
0x7b: {  	[tilespmem:s23], [sflag:$0x5] =	stream.indirect.gather @!p2 [hbm4b:s1+s22], $0x80, s21, s22, $0xb8;
	[tilespmem:$0x1BA80] =	vst v63  }
0x7c: {  	_ =	swait.ge @!p2 [sflag:s19], $0x4000  }
0x7d: {  	[sflag:s19] =	ssyncset.done @!p2 $0x0  }
0x7e: {  	[sflag:s19] =	ssyncadd.s32 @!p2 $0xFFFFC000;
	s19 =	simm.s32 @!p2 $0x3  }
0x7f: {  	_ =	swait.ge @!p2 [sflag:s19], $0x80  }
0x80: {  	[sflag:s19] =	ssyncset.done @!p2 $0x0;
	s31 =	rddreg [dreg:$0x6]  }
0x81: {  	p1 =	sgt.u32 @!p2 s18, $0x983;
	[sflag:s19] =	ssyncadd.s32 @!p2 $0xFFFFFF80;
	s18 =	sadd.s32 s18, s31  }
0x82: {  	[spmem:s2] =	stream.indirect.scatter.add.f32 @!p2 [tilespmem:s23], [sflag:$0x7], $0x80, s20, s22, $0xb8;
	[tilespmem:$0x1BA80] =	vst v63  }
0x83: {  	p3 =	por p1, p2;
	p1 =	sgt.u32 s18, $0x9C3  }
0x84: {  	s19 =	sadd.s32 @!p3 s17, s10;
	p2 =	seq.s32 @!p1 s17, $0x0  }
0x85: {  	s19 =	sadd.s32 @!p3 $0x400, s19;
	s20 =	simm.s32 @!p3 $0x0;
	p5 =	por p2, p1  }
0x86: {  	[tilespmem:s20], [sflag:$0x1] =	stream.linear.gather @!p3 [hbm4b:s19+s20], $0x80, $0x38;
	[tilespmem:$0x1BA80] =	vst v63  }
0x87: {  	p4 =	sne.s32 @!p1 s17, $0x0;
	s22 =	simm.s32 @!p1 $0x180;
	s21 =	simm.s32 @!p5 $0x8  }
0x88: {  	s23 =	simm.s32 @!p1 $0x2;
	p2 =	por p4, p1;
	_ =	swait.ge @!p5 [sflag:s21], $0x4000  }
0x89: {  	s19 =	sadd.s32 @!p1 s17, s11;
	s20 =	sadd.s32 @!p2 s17, s10;
	[sflag:s21] =	ssyncset.done @!p5 $0x0  }
0x8a: {  	s19 =	sadd.s32 @!p1 $0x200, s19;
	[sflag:s21] =	ssyncadd.s32 @!p5 $0xFFFFC000;
	s21 =	simm.s32 @!p1 $0x0  }
0x8b: {  	[tilespmem:s22], [sflag:$0x4] =	stream.linear.gather @!p1 [hbm4b:s19+s21], $0x80, $0x38;
	[tilespmem:$0x1BA80] =	vst v63  }
0x8c: {  	s20 =	sadd.s32 @!p2 $0x200, s20;
	s19 =	simm.s32 @!p2 $0x0;
	s21 =	simm.s32 @!p2 $0x80  }
0x8d: {  	[tilespmem:s21], [sflag:$0x2] =	stream.linear.gather @!p2 [hbm4b:s20+s19], $0x80, $0x38;
	[tilespmem:$0x1BA80] =	vst v63  }
0x8e: {  	_ =	swait.ge @!p1 [sflag:s23], $0x80  }
0x8f: {  	s19 =	simm.s32 @!p1 $0x6;
	[sflag:s23] =	ssyncset.done @!p1 $0x0  }
0x90: {  	s20 =	simm.s32 @!p1 $0x80;
	s21 =	simm.s32 @!p1 $0x4200;
	[sflag:s23] =	ssyncadd.s32 @!p1 $0xFFFFFF80  }
0x91: {  	[tilespmem:s21], [sflag:$0x6] =	stream.indirect.gather @!p1 [hbm4b:s1+s20], $0x80, s20, s20, $0xb8;
	[tilespmem:$0x1BA80] =	vst v63  }
0x92: {  	_ =	swait.ge @!p1 [sflag:s19], $0x4000  }
0x93: {  	[sflag:s19] =	ssyncset.done @!p1 $0x0  }
0x94: {  	[sflag:s19] =	ssyncadd.s32 @!p1 $0xFFFFC000;
	s19 =	simm.s32 @!p1 $0x4  }
0x95: {  	p2 =	sgt.u32 @!p1 s18, $0x983;
	_ =	swait.ge @!p1 [sflag:s19], $0x80  }
0x96: {  	p2 =	por p2, p1;
	[sflag:s19] =	ssyncset.done @!p1 $0x0  }
0x97: {  	s17 =	sadd.s32 @!p2 s17, s10;
	[sflag:s19] =	ssyncadd.s32 @!p1 $0xFFFFFF80  }
0x98: {  	[spmem:s2] =	stream.indirect.scatter.add.f32 @!p1 [tilespmem:s21], [sflag:$0x8], $0x80, s22, s20, $0xb8;
	[tilespmem:$0x1BA80] =	vst v63  }
0x99: {  	s18 =	simm.s32 @!p2 $0x0;
	s17 =	sadd.s32 @!p2 $0x600, s17;
	s19 =	simm.s32 @!p2 $0x80  }
0x9a: {  	[tilespmem:s19], [sflag:$0x2] =	stream.linear.gather @!p2 [hbm4b:s17+s18], $0x80, $0x38;
	[tilespmem:$0x1BA80] =	vst v63  }
0x9b: {  	_ =	swait.ge [sflag:s15], $0x4000  }
0x9c: {  	[sflag:s15] =	ssyncset.done $0x0  }
0x9d: {  	[sflag:s15] =	ssyncadd.s32 $0xFFFFC000  }
0x9e: {  	_ =	swait.ge [sflag:s16], $0x4000  }
0x9f: {  	[sflag:s16] =	ssyncset.done $0x0  }
0xa0: {  	[sflag:s16] =	ssyncadd.s32 $0xFFFFC000  }
0xa1: {  	s17 =	simm.s32 @p0 $0x1FC9;
	[bflag:$0x0] =	sbarrier.arrive $0xFFFF  }
0xa2: {  	[hbm:s8], [sflag:s17] =	dma.local @p0 [spmem:s12], $0x2800  }
0xa3: {  	s17 =	simm.s32 @p0 $0x9  }
0xa4: {  	s4 =	sadd.s32 $0x1, s4;
	_ =	swait.ge @p0 [sflag:s17], $0x2800  }
0xa5: {  	p1 =	sne.s32 s4, s9;
	[sflag:s17] =	ssyncset.done @p0 $0x0  }
.Ltmp1:
0xa6: {  	[sflag:s17] =	ssyncadd.s32 @p0 $0xFFFFD800;
	s17 =	simm.s32 @!p0 $0x9;
	(pc) =	sbr.rel @p1 .LBB2_1-.Ltmp1, $4  }
0xa7: {  	[hbm:s7], [sflag:s13] =	dma.local @!p0 [spmem:s14], $0x2700  }
0xa8: {  	_ =	swait.ge @!p0 [sflag:s17], $0x2700  }
0xa9: {  	[sflag:s17] =	ssyncset.done @!p0 $0x0  }
0xaa: {  	[sflag:s17] =	ssyncadd.s32 @!p0 $0xFFFFD900  }
0xab: {  	_ =	sfence.sel $0x180000  }
0xac: {  	[bflag:$0x0] =	sbarrier.arrive $0xFFFF  }
0xad: {  	p0 =	sne.s32 s3, $0x0;
	_ =	strace $0x90000047  }
0xae: {  	s0 =	sadd.s32 @!p0 $0x100000, s0;
	[bflag:$0x2] =	sbarrier.arrive $0xFFFF  }
0xaf: {  	[sflag:s0] =	ssyncadd.tile.s32 @!p0 $0x1;
	_ =	shalt  }
.Lfunc_end2:
_tile_overlayer_lowered:
.L_overlay_start_2:
0xb0: {  	(tag) =	ssettag $0x2  }
0xb1: {  	s0 =	rddreg [dreg:$0x0];
	s2 =	stileid.u32  }
0xb2: {  	s1 =	rddreg [dreg:$0x1];
	p0 =	sne.s32 s2, $0x0  }
0xb3: {  	s3 =	rddreg [dreg:$0x2];
	[bflag:$0x3] =	sbarrier.arrive $0xFFFF;
	s2 =	simm.s32 @!p0 $0x1C09  }
0xb4: {  	[timem:s3], [sflag:s2] =	dma.local @!p0 [hbm:s0], s1  }
0xb5: {  	s0 =	simm.s32 @!p0 $0x9  }
0xb6: {  	_ =	swait.ge @!p0 [sflag:s0], s1  }
0xb7: {  	s1 =	ssub.s32 @!p0 $0x0, s1;
	[sflag:s0] =	ssyncset.done @!p0 $0x0  }
0xb8: {  	[sflag:s0] =	ssyncadd.s32 @!p0 s1  }
0xb9: {  	[bflag:$0x3] =	sbarrier.arrive $0xFFFF  }
0xba: {  	_ =	shalt  }

</sc_bundles>
